<compile_context>
chip_gen: v7x
topology: tpu7x:2x2x1
jax: 0.10.2.dev20260603
libtpu: 0.0.44.dev20260713+nightly
codegen_flags: <defaults>
</compile_context>

<pallas_src>
import functools

import jax
import jax.numpy as jnp
from jax import lax
from jax.experimental import pallas as pl
from jax.experimental.pallas import tpu as pltpu
from jax.experimental.pallas import tpu_sc as plsc

B, N, C = 8, 4096, 3
G = 512
K = 32

_SC_INFO = plsc.get_sparse_core_info()
NW = _SC_INFO.num_cores * _SC_INFO.num_subcores


def _fps_body(xt_ref, idx_ref, cx_ref, cy_ref, cz_ref):
    x0 = xt_ref[0]
    x1 = xt_ref[1]
    x2 = xt_ref[2]
    iota = lax.broadcasted_iota(jnp.int32, (B, N), 1)
    rowoff = lax.broadcasted_iota(jnp.int32, (1, B), 1) * N

    def step(i, carry):
        dist, far = carry
        onehot = iota == far
        c0 = jnp.sum(jnp.where(onehot, x0, 0.0), axis=1, keepdims=True)
        c1 = jnp.sum(jnp.where(onehot, x1, 0.0), axis=1, keepdims=True)
        c2 = jnp.sum(jnp.where(onehot, x2, 0.0), axis=1, keepdims=True)
        idx_ref[pl.ds(i, 1), :] = far.reshape(1, B) + rowoff
        cx_ref[pl.ds(i, 1), :] = c0.reshape(1, B)
        cy_ref[pl.ds(i, 1), :] = c1.reshape(1, B)
        cz_ref[pl.ds(i, 1), :] = c2.reshape(1, B)
        d0 = (x0 - c0) ** 2
        d1 = (x1 - c1) ** 2
        d2 = (x2 - c2) ** 2
        d = (d0 + d2) + d1
        dist = jnp.minimum(dist, d)
        m = jnp.max(dist, axis=1, keepdims=True)
        cand = jnp.where(dist == m, iota, N)
        far = jnp.min(cand, axis=1, keepdims=True)
        return dist, far

    dist0 = jnp.full((B, N), 1e10, dtype=jnp.float32)
    far0 = jnp.zeros((B, 1), dtype=jnp.int32)
    lax.fori_loop(0, G, step, (dist0, far0))


def _fps(xt):
    out = pl.pallas_call(
        _fps_body,
        out_shape=(
            jax.ShapeDtypeStruct((G, B), jnp.int32),
            jax.ShapeDtypeStruct((G, B), jnp.float32),
            jax.ShapeDtypeStruct((G, B), jnp.float32),
            jax.ShapeDtypeStruct((G, B), jnp.float32),
        ),
    )(xt)
    return out


M1 = B * G + B * G * K
M2 = B * G * K
CHUNK = 128
PW1 = M1 // NW
PW2 = M2 // NW
NC1 = PW1 // CHUNK
NC2 = PW2 // CHUNK


def _sc_gather_body(tab128, idx1, out1, idxv, rows, sem):
    wid = lax.axis_index("s") * _SC_INFO.num_cores + lax.axis_index("c")
    base1 = wid * PW1

    def chunk1(t, carry):
        off = base1 + t * CHUNK
        pltpu.sync_copy(idx1.at[pl.ds(off, CHUNK)], idxv)
        pltpu.async_copy(tab128.at[idxv], rows, sem).wait()
        pltpu.sync_copy(rows, out1.at[pl.ds(off, CHUNK)])
        return carry

    lax.fori_loop(0, NC1, chunk1, 0)


@functools.partial(
    pl.kernel,
    out_type=jax.ShapeDtypeStruct((M1, 128), jnp.float32),
    mesh=plsc.VectorSubcoreMesh(core_axis_name="c", subcore_axis_name="s"),
    scratch_types=[
        pltpu.VMEM((CHUNK,), jnp.int32),
        pltpu.VMEM((CHUNK, 128), jnp.float32),
        pltpu.SemaphoreType.DMA,
    ],
)
def _sc_gather(tab128, idx1, out1, idxv, rows, sem):
    _sc_gather_body(tab128, idx1, out1, idxv, rows, sem)


def kernel(xyz, points):
    xt = jnp.transpose(xyz, (2, 0, 1))
    fps_flat, cx, cy, cz = _fps(xt)
    fps_idx = (jnp.transpose(fps_flat) - jnp.arange(B)[:, None] * N).astype(jnp.int32)
    new_xyz = jnp.stack([cx.T, cy.T, cz.T], axis=-1)
    d = -2 * jnp.matmul(new_xyz, jnp.transpose(xyz, (0, 2, 1)))
    d = d + jnp.sum(new_xyz ** 2, -1).reshape(B, G, 1)
    d = d + jnp.sum(xyz ** 2, -1).reshape(B, 1, N)
    _, idx = jax.lax.top_k(-d, K)

    fps_b_major = jnp.transpose(fps_flat).reshape(B * G)
    knn_flat = (idx + jnp.arange(B)[:, None, None] * N).reshape(B * G * K)
    all128_idx = jnp.concatenate([fps_b_major, knn_flat])
    points_flat = points.reshape(B * N, 128)
    out1 = _sc_gather(points_flat, all128_idx)
    new_points = out1[:B * G].reshape(B, G, 128)
    grouped_points = out1[B * G:].reshape(B, G, K, 128)
    bidx3 = jnp.arange(B)[:, None, None]
    grouped_xyz = xyz[bidx3, idx, :]
    return (new_xyz, new_points, grouped_xyz, grouped_points)

# --- scband reference (transcript-rebuilt; emitter-appended) ---
"""Pipeline reference for scband-local-grouper-3015067041923 (READ-ONLY COPY).

The authoritative reference and input builder live on the scoring server;
editing this copy changes nothing except your own understanding.
"""

import jax, jax.numpy as jnp
import numpy as np

GROUPS = 512
KNEIGHBORS = 32


def farthest_point_sample(xyz, npoint):
    B, N, C = xyz.shape
    def body(i, state):
        centroids, distance, farthest = state
        centroids = centroids.at[:, i].set(farthest)
        centroid = xyz[jnp.arange(B), farthest, :].reshape(B, 1, 3)
        dist = jnp.sum((xyz - centroid) ** 2, -1)
        distance = jnp.minimum(distance, dist)
        farthest = jnp.argmax(distance, -1).astype(jnp.int32)
        return (centroids, distance, farthest)
    centroids0 = jnp.zeros((B, npoint), dtype=jnp.int32)
    distance0 = jnp.ones((B, N), dtype=xyz.dtype) * 1e10
    farthest0 = jnp.zeros((B,), dtype=jnp.int32)  # deterministic init (torch uses randint)
    centroids, _, _ = jax.lax.fori_loop(0, npoint, body, (centroids0, distance0, farthest0))
    return centroids


def index_points(points, idx):
    B = points.shape[0]
    batch_idx = jnp.arange(B).reshape((B,) + (1,) * (idx.ndim - 1))
    batch_idx = jnp.broadcast_to(batch_idx, idx.shape)
    return points[batch_idx, idx, :]


def square_distance(src, dst):
    B, N, _ = src.shape
    _, M, _ = dst.shape
    dist = -2 * jnp.matmul(src, jnp.transpose(dst, (0, 2, 1)))
    dist = dist + jnp.sum(src ** 2, -1).reshape(B, N, 1)
    dist = dist + jnp.sum(dst ** 2, -1).reshape(B, 1, M)
    return dist


def knn_point(nsample, xyz, new_xyz):
    sqrdists = square_distance(new_xyz, xyz)
    _, group_idx = jax.lax.top_k(-sqrdists, nsample)
    return group_idx


def setup_inputs(seed: int = 0) -> dict:
    key = jax.random.key(seed)
    k1, k2 = jax.random.split(key)
    xyz = jax.random.normal(k1, (8, 4096, 3), dtype=jnp.float32)
    points = jax.random.normal(k2, (8, 4096, 128), dtype=jnp.float32)
    return {"xyz": xyz, "points": points}


def reference(xyz, points):
    fps_idx = jax.lax.stop_gradient(farthest_point_sample(xyz, GROUPS))
    new_xyz = index_points(xyz, fps_idx)
    new_points = index_points(points, fps_idx)
    idx = jax.lax.stop_gradient(knn_point(KNEIGHBORS, xyz, new_xyz))
    grouped_xyz = index_points(xyz, idx)
    grouped_points = index_points(points, idx)
    return (new_xyz, new_points, grouped_xyz, grouped_points)

if __name__ == "__main__":
    import jax
    _d = setup_inputs()
    print(jax.jit(kernel)(*tuple(_d.values())))

</pallas_src>

<mosaic_0001>
#map = affine_map<(d0, d1) -> (0, 0)>
#map1 = affine_map<(d0, d1) -> (0)>
module attributes {stable_mosaic.version = 14 : i64} {
  func.func @_sc_gather(%arg0: i32, %arg1: i32, %arg2: memref<32768x128xf32, #tpu.memory_space<hbm>>, %arg3: memref<135168xi32, #tpu.memory_space<hbm>>, %arg4: memref<135168x128xf32, #tpu.memory_space<hbm>>, %arg5: memref<128xi32, #tpu.memory_space<vmem>>, %arg6: memref<128x128xf32, #tpu.memory_space<vmem>>, %arg7: memref<!tpu.dma_semaphore, #tpu.memory_space<semaphore_mem>>) attributes {dimension_semantics = [#tpu.dimension_semantics<core_parallel>, #tpu.dimension_semantics<subcore_parallel>], iteration_bounds = array<i64: 2, 16>, scalar_prefetch = 0 : i64, scratch_operands = 3 : i64, tpu.core_type = #tpu.core_type<sc_vector_subcore>, window_params = [{transform_indices = #map}, {transform_indices = #map1}, {transform_indices = #map}]} {
    %mul3A = arith.constant 2 : i32
    %mul3A_0 = arith.muli %arg1, %mul3A : i32
    %add3A = arith.addi %mul3A_0, %arg0 : i32
    %mul3A_1 = arith.constant 4224 : i32
    %mul3A_2 = arith.muli %add3A, %mul3A_1 : i32
    %scan3A = arith.constant 0 : i32
    %scan3A_3 = arith.constant 0 : i32
    %scan3A_4 = arith.constant 33 : i32
    %scan3A_5 = arith.addi %scan3A_3, %scan3A_4 : i32
    %scan3A_6 = arith.constant 1 : i32
    scf.for %scan3A_8 = %scan3A_3 to %scan3A_5 step %scan3A_6  : i32 {
      %mul3A_9 = arith.constant 128 : i32
      %mul3A_10 = arith.muli %scan3A_8, %mul3A_9 : i32
      %add3A_11 = arith.addi %mul3A_2, %mul3A_10 : i32
      "tpu.region"() ({
        %run_scoped3A = tpu.sem_alloc : memref<!tpu.dma_semaphore, #tpu.memory_space<semaphore_mem>>
        %dma_start3A_16 = tpu.memref_slice %arg3[%add3A_11] : memref<135168xi32, #tpu.memory_space<hbm>> -> memref<128xi32, #tpu.memory_space<hbm>>
        %dma_start3A_17 = tpu.memref_slice %arg3[%add3A_11] : memref<135168xi32, #tpu.memory_space<hbm>> -> memref<128xi32, #tpu.memory_space<hbm>>
        tpu.enqueue_dma source(%dma_start3A_17 : memref<128xi32, #tpu.memory_space<hbm>>) target(%arg5 : memref<128xi32, #tpu.memory_space<vmem>>) target_semaphore(%run_scoped3A : memref<!tpu.dma_semaphore, #tpu.memory_space<semaphore_mem>>)
        %dma_wait3A_18 = tpu.memref_slice %arg3[%add3A_11] : memref<135168xi32, #tpu.memory_space<hbm>> -> memref<128xi32, #tpu.memory_space<hbm>>
        %dma_wait3A_19 = tpu.memref_slice %arg3[%add3A_11] : memref<135168xi32, #tpu.memory_space<hbm>> -> memref<128xi32, #tpu.memory_space<hbm>>
        tpu.wait_dma2 semaphore(%run_scoped3A : memref<!tpu.dma_semaphore, #tpu.memory_space<semaphore_mem>>) src(%dma_wait3A_19 : memref<128xi32, #tpu.memory_space<hbm>>) dst(%arg5 : memref<128xi32, #tpu.memory_space<vmem>>)
        tpu.yield
      }) : () -> ()
      %dma_start3A = arith.constant 0 : i32
      %dma_start3A_12 = arith.constant 0 : i32
      %dma_start3A_13 = tpu.memref_slice %arg2[%dma_start3A, %dma_start3A_12] : memref<32768x128xf32, #tpu.memory_space<hbm>> -> memref<32768x128xf32, #tpu.memory_space<hbm>>
      tpu.enqueue_indirect_dma source(%dma_start3A_13 : memref<32768x128xf32, #tpu.memory_space<hbm>>) target(%arg6 : memref<128x128xf32, #tpu.memory_space<vmem>>) offsets(%arg5 : memref<128xi32, #tpu.memory_space<vmem>>) semaphore(%arg7 : memref<!tpu.dma_semaphore, #tpu.memory_space<semaphore_mem>>)
      %dma_wait3A = arith.constant 0 : i32
      %dma_wait3A_14 = arith.constant 0 : i32
      %dma_wait3A_15 = tpu.memref_slice %arg2[%dma_wait3A, %dma_wait3A_14] : memref<32768x128xf32, #tpu.memory_space<hbm>> -> memref<32768x128xf32, #tpu.memory_space<hbm>>
      tpu.wait_indirect_dma semaphore(%arg7 : memref<!tpu.dma_semaphore, #tpu.memory_space<semaphore_mem>>) src(%dma_wait3A_15 : memref<32768x128xf32, #tpu.memory_space<hbm>>) dst(%arg6 : memref<128x128xf32, #tpu.memory_space<vmem>>)
      "tpu.region"() ({
        %run_scoped3A = tpu.sem_alloc : memref<!tpu.dma_semaphore, #tpu.memory_space<semaphore_mem>>
        %dma_start3A_16 = arith.constant 0 : i32
        %dma_start3A_17 = tpu.memref_slice %arg4[%add3A_11, %dma_start3A_16] : memref<135168x128xf32, #tpu.memory_space<hbm>> -> memref<128x128xf32, #tpu.memory_space<hbm>>
        %dma_start3A_18 = arith.constant 0 : i32
        %dma_start3A_19 = tpu.memref_slice %arg4[%add3A_11, %dma_start3A_18] : memref<135168x128xf32, #tpu.memory_space<hbm>> -> memref<128x128xf32, #tpu.memory_space<hbm>>
        tpu.enqueue_dma source(%arg6 : memref<128x128xf32, #tpu.memory_space<vmem>>) target(%dma_start3A_19 : memref<128x128xf32, #tpu.memory_space<hbm>>) target_semaphore(%run_scoped3A : memref<!tpu.dma_semaphore, #tpu.memory_space<semaphore_mem>>)
        %dma_wait3A_20 = arith.constant 0 : i32
        %dma_wait3A_21 = tpu.memref_slice %arg4[%add3A_11, %dma_wait3A_20] : memref<135168x128xf32, #tpu.memory_space<hbm>> -> memref<128x128xf32, #tpu.memory_space<hbm>>
        %dma_wait3A_22 = arith.constant 0 : i32
        %dma_wait3A_23 = tpu.memref_slice %arg4[%add3A_11, %dma_wait3A_22] : memref<135168x128xf32, #tpu.memory_space<hbm>> -> memref<128x128xf32, #tpu.memory_space<hbm>>
        tpu.wait_dma2 semaphore(%run_scoped3A : memref<!tpu.dma_semaphore, #tpu.memory_space<semaphore_mem>>) src(%arg6 : memref<128x128xf32, #tpu.memory_space<vmem>>) dst(%dma_wait3A_23 : memref<128x128xf32, #tpu.memory_space<hbm>>)
        tpu.yield
      }) : () -> ()
    }
    %scan3A_7 = arith.constant 33 : i32
    return
  }
}

module attributes {stable_mosaic.version = 14 : i64} {
  func.func @_fps_body(%arg0: memref<3x8x4096xf32, #tpu.memory_space<vmem>>, %arg1: memref<512x8xi32, #tpu.memory_space<vmem>>, %arg2: memref<512x8xf32, #tpu.memory_space<vmem>>, %arg3: memref<512x8xf32, #tpu.memory_space<vmem>>, %arg4: memref<512x8xf32, #tpu.memory_space<vmem>>) attributes {dimension_semantics = [], scalar_prefetch = 0 : i64, scratch_operands = 0 : i64, tpu.core_type = #tpu.core_type<tc>} {
    %get3A = arith.constant 0 : index
    %get3A_0 = arith.constant 0 : index
    %get3A_1 = arith.constant 0 : index
    %get3A_2 = vector.load %arg0[%get3A, %get3A_0, %get3A_1] : memref<3x8x4096xf32, #tpu.memory_space<vmem>>, vector<1x8x4096xf32>
    %get3A_3 = vector.shape_cast %get3A_2 : vector<1x8x4096xf32> to vector<8x4096xf32>
    %get3A_4 = arith.constant 1 : index
    %get3A_5 = arith.constant 0 : index
    %get3A_6 = arith.constant 0 : index
    %get3A_7 = vector.load %arg0[%get3A_4, %get3A_5, %get3A_6] : memref<3x8x4096xf32, #tpu.memory_space<vmem>>, vector<1x8x4096xf32>
    %get3A_8 = vector.shape_cast %get3A_7 : vector<1x8x4096xf32> to vector<8x4096xf32>
    %get3A_9 = arith.constant 2 : index
    %get3A_10 = arith.constant 0 : index
    %get3A_11 = arith.constant 0 : index
    %get3A_12 = vector.load %arg0[%get3A_9, %get3A_10, %get3A_11] : memref<3x8x4096xf32, #tpu.memory_space<vmem>>, vector<1x8x4096xf32>
    %get3A_13 = vector.shape_cast %get3A_12 : vector<1x8x4096xf32> to vector<8x4096xf32>
    %iota3A = tpu.iota {dimensions = array<i32: 1>} : vector<8x4096xi32>
    %iota3A_14 = tpu.iota {dimensions = array<i32: 1>} : vector<1x8xi32>
    %mul3A = arith.constant 4096 : i32
    %mul3A_15 = vector.broadcast %mul3A : i32 to vector<1x8xi32>
    %mul3A_16 = arith.muli %iota3A_14, %mul3A_15 : vector<1x8xi32>
    %broadcast_in_dim3A = arith.constant 1.000000e+10 : f32
    %broadcast_in_dim3A_17 = vector.broadcast %broadcast_in_dim3A : f32 to vector<8x4096xf32>
    %broadcast_in_dim3A_18 = arith.constant 0 : i32
    %broadcast_in_dim3A_19 = vector.broadcast %broadcast_in_dim3A_18 : i32 to vector<8x1xi32>
    %scan3A = arith.constant 0 : i32
    %scan3A_20 = arith.constant 512 : i32
    %scan3A_21 = arith.addi %scan3A, %scan3A_20 : i32
    %scan3A_22 = arith.constant 1 : i32
    %scan3A_23:2 = scf.for %scan3A_25 = %scan3A to %scan3A_21 step %scan3A_22 iter_args(%scan3A_26 = %broadcast_in_dim3A_17, %scan3A_27 = %broadcast_in_dim3A_19) -> (vector<8x4096xf32>, vector<8x1xi32>)  : i32 {
      %eq3A = vector.broadcast %scan3A_27 : vector<8x1xi32> to vector<8x4096xi32>
      %eq3A_28 = arith.cmpi eq, %iota3A, %eq3A : vector<8x4096xi32>
      %jit3A = arith.constant 0.000000e+00 : f32
      %broadcast_in_dim3A_29 = vector.broadcast %jit3A : f32 to vector<8x4096xf32>
      %select_n3A = arith.select %eq3A_28, %get3A_3, %broadcast_in_dim3A_29 : vector<8x4096xi1>, vector<8x4096xf32>
      %reduce_sum3A = arith.constant dense<0.000000e+00> : vector<8xf32>
      %reduce_sum3A_30 = vector.multi_reduction <add>, %select_n3A, %reduce_sum3A [1] : vector<8x4096xf32> to vector<8xf32>
      %broadcast_in_dim3A_31 = vector.shape_cast %reduce_sum3A_30 : vector<8xf32> to vector<8x1xf32>
      %jit3A_32 = arith.constant 0.000000e+00 : f32
      %broadcast_in_dim3A_33 = vector.broadcast %jit3A_32 : f32 to vector<8x4096xf32>
      %select_n3A_34 = arith.select %eq3A_28, %get3A_8, %broadcast_in_dim3A_33 : vector<8x4096xi1>, vector<8x4096xf32>
      %reduce_sum3A_35 = arith.constant dense<0.000000e+00> : vector<8xf32>
      %reduce_sum3A_36 = vector.multi_reduction <add>, %select_n3A_34, %reduce_sum3A_35 [1] : vector<8x4096xf32> to vector<8xf32>
      %broadcast_in_dim3A_37 = vector.shape_cast %reduce_sum3A_36 : vector<8xf32> to vector<8x1xf32>
      %jit3A_38 = arith.constant 0.000000e+00 : f32
      %broadcast_in_dim3A_39 = vector.broadcast %jit3A_38 : f32 to vector<8x4096xf32>
      %select_n3A_40 = arith.select %eq3A_28, %get3A_13, %broadcast_in_dim3A_39 : vector<8x4096xi1>, vector<8x4096xf32>
      %reduce_sum3A_41 = arith.constant dense<0.000000e+00> : vector<8xf32>
      %reduce_sum3A_42 = vector.multi_reduction <add>, %select_n3A_40, %reduce_sum3A_41 [1] : vector<8x4096xf32> to vector<8xf32>
      %broadcast_in_dim3A_43 = vector.shape_cast %reduce_sum3A_42 : vector<8xf32> to vector<8x1xf32>
      %reshape3A = vector.shape_cast %scan3A_27 : vector<8x1xi32> to vector<1x8xi32>
      %add3A = arith.addi %reshape3A, %mul3A_16 : vector<1x8xi32>
      %swap3A = arith.index_cast %scan3A_25 : i32 to index
      %swap3A_44 = arith.constant 0 : index
      %swap3A_45 = vector.load %arg1[%swap3A, %swap3A_44] : memref<512x8xi32, #tpu.memory_space<vmem>>, vector<1x8xi32>
      tpu.vector_store %arg1[%swap3A, %swap3A_44], %add3A {strides = array<i32>} : memref<512x8xi32, #tpu.memory_space<vmem>>, vector<1x8xi32>,
      %reshape3A_46 = vector.shape_cast %broadcast_in_dim3A_31 : vector<8x1xf32> to vector<1x8xf32>
      %swap3A_47 = arith.index_cast %scan3A_25 : i32 to index
      %swap3A_48 = arith.constant 0 : index
      %swap3A_49 = vector.load %arg2[%swap3A_47, %swap3A_48] : memref<512x8xf32, #tpu.memory_space<vmem>>, vector<1x8xf32>
      tpu.vector_store %arg2[%swap3A_47, %swap3A_48], %reshape3A_46 {strides = array<i32>} : memref<512x8xf32, #tpu.memory_space<vmem>>, vector<1x8xf32>,
      %reshape3A_50 = vector.shape_cast %broadcast_in_dim3A_37 : vector<8x1xf32> to vector<1x8xf32>
      %swap3A_51 = arith.index_cast %scan3A_25 : i32 to index
      %swap3A_52 = arith.constant 0 : index
      %swap3A_53 = vector.load %arg3[%swap3A_51, %swap3A_52] : memref<512x8xf32, #tpu.memory_space<vmem>>, vector<1x8xf32>
      tpu.vector_store %arg3[%swap3A_51, %swap3A_52], %reshape3A_50 {strides = array<i32>} : memref<512x8xf32, #tpu.memory_space<vmem>>, vector<1x8xf32>,
      %reshape3A_54 = vector.shape_cast %broadcast_in_dim3A_43 : vector<8x1xf32> to vector<1x8xf32>
      %swap3A_55 = arith.index_cast %scan3A_25 : i32 to index
      %swap3A_56 = arith.constant 0 : index
      %swap3A_57 = vector.load %arg4[%swap3A_55, %swap3A_56] : memref<512x8xf32, #tpu.memory_space<vmem>>, vector<1x8xf32>
      tpu.vector_store %arg4[%swap3A_55, %swap3A_56], %reshape3A_54 {strides = array<i32>} : memref<512x8xf32, #tpu.memory_space<vmem>>, vector<1x8xf32>,
      %sub3A = vector.broadcast %broadcast_in_dim3A_31 : vector<8x1xf32> to vector<8x4096xf32>
      %sub3A_58 = arith.subf %get3A_3, %sub3A : vector<8x4096xf32>
      %integer_pow3A = arith.mulf %sub3A_58, %sub3A_58 : vector<8x4096xf32>
      %sub3A_59 = vector.broadcast %broadcast_in_dim3A_37 : vector<8x1xf32> to vector<8x4096xf32>
      %sub3A_60 = arith.subf %get3A_8, %sub3A_59 : vector<8x4096xf32>
      %integer_pow3A_61 = arith.mulf %sub3A_60, %sub3A_60 : vector<8x4096xf32>
      %sub3A_62 = vector.broadcast %broadcast_in_dim3A_43 : vector<8x1xf32> to vector<8x4096xf32>
      %sub3A_63 = arith.subf %get3A_13, %sub3A_62 : vector<8x4096xf32>
      %integer_pow3A_64 = arith.mulf %sub3A_63, %sub3A_63 : vector<8x4096xf32>
      %add3A_65 = arith.addf %integer_pow3A, %integer_pow3A_64 : vector<8x4096xf32>
      %add3A_66 = arith.addf %add3A_65, %integer_pow3A_61 : vector<8x4096xf32>
      %min3A = arith.minimumf %scan3A_26, %add3A_66 : vector<8x4096xf32>
      %reduce_max3A = arith.constant dense<0xFF800000> : vector<8xf32>
      %reduce_max3A_67 = vector.multi_reduction <maximumf>, %min3A, %reduce_max3A [1] : vector<8x4096xf32> to vector<8xf32>
      %broadcast_in_dim3A_68 = vector.shape_cast %reduce_max3A_67 : vector<8xf32> to vector<8x1xf32>
      %eq3A_69 = vector.broadcast %broadcast_in_dim3A_68 : vector<8x1xf32> to vector<8x4096xf32>
      %eq3A_70 = arith.cmpf oeq, %min3A, %eq3A_69 : vector<8x4096xf32>
      %jit3A_71 = arith.constant 4096 : i32
      %broadcast_in_dim3A_72 = vector.broadcast %jit3A_71 : i32 to vector<8x4096xi32>
      %select_n3A_73 = arith.select %eq3A_70, %iota3A, %broadcast_in_dim3A_72 : vector<8x4096xi1>, vector<8x4096xi32>
      %reduce_min3A = arith.constant dense<2147483647> : vector<8xi32>
      %reduce_min3A_74 = vector.multi_reduction <minsi>, %select_n3A_73, %reduce_min3A [1] : vector<8x4096xi32> to vector<8xi32>
      %broadcast_in_dim3A_75 = vector.shape_cast %reduce_min3A_74 : vector<8xi32> to vector<8x1xi32>
      scf.yield %min3A, %broadcast_in_dim3A_75 : vector<8x4096xf32>, vector<8x1xi32>
    }
    %scan3A_24 = arith.constant 512 : i32
    return
  }
}

</mosaic_0001>

<sc_bundles>
// kernel: kernel.4.cloned.1.call-start
scs
__scs_entry_jumppad:
0x0: {  	(pc) =	sbr.rel $0x88, $3  }
0x1: {  	(tag) =	ssettag $0x0;
	lr =	simm.s32 $0x1  }
0x2: {  	[smem:$0x3F9F] =	sst lr;
	_ =	strace $0xD0000000  }
0x3: {  	_ = 	snop  }
0x4: {  	_ = 	snop  }
0x5: {  	_ = 	snop  }
0x6: {  	_ = 	snop  }
0x7: {  	_ = 	snop  }
__scs_overlays_trampoline_lowered:
0x8: {  	[smem:$0x3FAE] =	sst s0  }
0x9: {  	[smem:$0x3FAF] =	sst s1  }
0xa: {  	[smem:$0x3FB0] =	sst s2  }
0xb: {  	[smem:$0x3FB1] =	sst s3  }
0xc: {  	[smem:$0x3FB2] =	sst s4  }
0xd: {  	[smem:$0x3FB3] =	sst s5  }
0xe: {  	[smem:$0x3FB4] =	sst s6  }
0xf: {  	[smem:$0x3FB5] =	sst s7  }
0x10: {  	[smem:$0x3FB6] =	sst s8  }
0x11: {  	[smem:$0x3FB7] =	sst s9;
	s0 =	simm.s32 @!p0 $0x0  }
0x12: {  	s1 =	sld [smem:$0x3F9D];
	s0 =	simm.s32 @p0 $0x1  }
0x13: {  	[smem:$0x3FB8] =	sst s0;
	s0 =	simm.s32 @!p1 $0x0  }
0x14: {  	s2 =	sld [smem:$0x3F9C];
	s0 =	simm.s32 @p1 $0x1  }
0x15: {  	[smem:$0x3FB9] =	sst s0;
	s0 =	simm.s32 @!p2 $0x0  }
0x16: {  	s3 =	sld [smem:$0x3FDB];
	s0 =	simm.s32 @p2 $0x1  }
0x17: {  	s4 =	simm.s32 $0x1BF5;
	[smem:$0x3FBB] =	sst s0  }
0x18: {  	s0 =	sld [smem:$0x3F9E];
	_ =	swait.ge [sflag:s4], $0x0  }
0x19: {  	s7 =	sld [smem:$0x3F9F]  }
0x1a: {  	s8 =	sadd.s32 $0xFFFFE003, lr  }
0x1b: {  	s9 =	sadd.s32 $0xFFFFFEF7, lr;
	s5 =	simm.s32 $0xFFFFFFFF;
	p2 =	slt.u32 s8, $0xFFFFF086  }
0x1c: {  	p1 =	slt.u32 s9, $0xF7A;
	s5 =	simm.s32 @!p2 $0x0  }
0x1d: {  	s5 =	simm.s32 @p1 $0x1;
	p0 =	seq.s32 s7, s2  }
0x1e: {  	s7 =	smul.u32 @!p0 $0xF7A, s2;
	p2 =	seq.s32 @!p0 s5, $0x0  }
0x1f: {  	s9 =	smul.u32 $0xF7A, s1;
	s8 =	simm.s32 @!p0 $0x1BF5;
	p2 =	por !p2, p0  }
0x20: {  	[sflag:s8] =	ssyncset.s32 @!p0 $0xFFFFF086;
	s6 =	sadd.s32 @!p0 s3, s7;
	s7 =	simm.s32 @!p0 $0x108  }
0x21: {  	s3 =	sadd.s32 s3, s9;
	s6 =	sadd.s32 @!p0 $0x88, s6;
	s7 =	simm.s32 @p2 $0x1082  }
0x22: {  	[simem:s7], [sflag:s8] =	dma.local @!p0 [hbm:s6], $0xF7A  }
0x23: {  	s9 =	sor.u32 $0xD0000000, s2;
	s6 =	simm.s32 $0x108;
	_ =	swait.ge @!p0 [sflag:s8], $0x0  }
0x24: {  	s3 =	sadd.s32 $0x88, s3;
	s6 =	simm.s32 @!p1 $0x1082;
	[sflag:s4] =	ssyncset.s32 $0xFFFFF086  }
0x25: {  	[simem:s6], [sflag:s4] =	dma.local [hbm:s3], $0xF7A  }
0x26: {  	[smem:$0x3F9F] =	sst s1;
	(tag) =	ssettag s2;
	_ =	strace s9  }
0x27: {  	s1 =	sld [smem:$0x3FAF]  }
0x28: {  	s2 =	sld [smem:$0x3FB0]  }
0x29: {  	s4 =	sld [smem:$0x3FB2]  }
0x2a: {  	p0 =	seq.s32 s5, $0x0;
	s5 =	sld [smem:$0x3FB3]  }
0x2b: {  	s6 =	sld [smem:$0x3FB4]  }
0x2c: {  	s7 =	sld [smem:$0x3FB5]  }
0x2d: {  	s3 =	simm.s32 $0x108;
	s8 =	sld [smem:$0x3FB6]  }
0x2e: {  	s3 =	simm.s32 @!p0 $0x1082;
	s9 =	sld [smem:$0x3FB7]  }
0x2f: {  	lr =	sadd.s32 s0, s3;
	s0 =	sld [smem:$0x3FAE]  }
0x30: {  	s3 =	sld [smem:$0x3FB1]  }
0x31: {  	[smem:$0x3FBA] =	sst s10  }
0x32: {  	s10 =	sld [smem:$0x3FB8];
	_ =	sdelay $0x3  }
0x33: {  	p0 =	seq.s32 s10, $0x1;
	s10 =	sld [smem:$0x3FBA];
	_ =	sdelay $0x3  }
0x34: {  	[smem:$0x3FBA] =	sst s10  }
0x35: {  	s10 =	sld [smem:$0x3FB9];
	_ =	sdelay $0x3  }
0x36: {  	p1 =	seq.s32 s10, $0x1;
	s10 =	sld [smem:$0x3FBA];
	_ =	sdelay $0x3  }
0x37: {  	[smem:$0x3FBA] =	sst s10  }
0x38: {  	s10 =	sld [smem:$0x3FBB]  }
0x39: {  	_ = 	snop;
	(pc) =	sbr.ind lr, $3  }
0x3a: {  	_ = 	snop  }
0x3b: {  	_ = 	snop  }
0x3c: {  	p2 =	seq.s32 s10, $0x1;
	s10 =	sld [smem:$0x3FBA]  }
0x3d: {  	_ =	shalt  }
0x3e: {  	_ =	shalt  }
0x3f: {  	_ =	shalt  }
0x40: {  	_ =	shalt  }
0x41: {  	_ =	shalt  }
0x42: {  	_ =	shalt  }
0x43: {  	_ =	shalt  }
0x44: {  	_ =	shalt  }
0x45: {  	_ =	shalt  }
0x46: {  	_ =	shalt  }
0x47: {  	_ =	shalt  }
0x48: {  	_ =	shalt  }
0x49: {  	_ =	shalt  }
0x4a: {  	_ =	shalt  }
0x4b: {  	_ =	shalt  }
0x4c: {  	_ =	shalt  }
0x4d: {  	_ =	shalt  }
0x4e: {  	_ =	shalt  }
0x4f: {  	_ =	shalt  }
0x50: {  	_ =	shalt  }
0x51: {  	_ =	shalt  }
0x52: {  	_ =	shalt  }
0x53: {  	_ =	shalt  }
0x54: {  	_ =	shalt  }
0x55: {  	_ =	shalt  }
0x56: {  	_ =	shalt  }
0x57: {  	_ =	shalt  }
0x58: {  	_ =	shalt  }
0x59: {  	_ =	shalt  }
0x5a: {  	_ =	shalt  }
0x5b: {  	_ =	shalt  }
0x5c: {  	_ =	shalt  }
0x5d: {  	_ =	shalt  }
0x5e: {  	_ =	shalt  }
0x5f: {  	_ =	shalt  }
0x60: {  	_ =	shalt  }
0x61: {  	_ =	shalt  }
0x62: {  	_ =	shalt  }
0x63: {  	_ =	shalt  }
0x64: {  	_ =	shalt  }
0x65: {  	_ =	shalt  }
0x66: {  	_ =	shalt  }
0x67: {  	_ =	shalt  }
0x68: {  	_ =	shalt  }
0x69: {  	_ =	shalt  }
0x6a: {  	_ =	shalt  }
0x6b: {  	_ =	shalt  }
0x6c: {  	_ =	shalt  }
0x6d: {  	_ =	shalt  }
0x6e: {  	_ =	shalt  }
0x6f: {  	_ =	shalt  }
0x70: {  	_ =	shalt  }
0x71: {  	_ =	shalt  }
0x72: {  	_ =	shalt  }
0x73: {  	_ =	shalt  }
0x74: {  	_ =	shalt  }
0x75: {  	_ =	shalt  }
0x76: {  	_ =	shalt  }
0x77: {  	_ =	shalt  }
0x78: {  	_ =	shalt  }
0x79: {  	_ =	shalt  }
0x7a: {  	_ =	shalt  }
0x7b: {  	_ =	shalt  }
0x7c: {  	_ =	shalt  }
0x7d: {  	_ =	shalt  }
0x7e: {  	_ =	shalt  }
0x7f: {  	_ =	shalt  }
0x80: {  	_ =	shalt  }
0x81: {  	_ =	shalt  }
0x82: {  	_ =	shalt  }
0x83: {  	_ =	shalt  }
0x84: {  	_ =	shalt  }
0x85: {  	_ =	shalt  }
0x86: {  	_ =	shalt  }
0x87: {  	_ =	shalt  }
.Lfunc_end0:
.L_simem_size_0:
called_computation.1_lowered:
.L_overlay_start_0:
0x88: {  	s2 =	sld [smem:$0x3FD9]  }
0x89: {  	s3 =	sld [smem:$0x3FFE];
	_ =	sdelay $0x1  }
0x8a: {  	s1 =	srdreg.scid  }
0x8b: {  	s0 =	sand.u32 $0x1, s1  }
0x8c: {  	s14 =	sshll.u32 s0, $0xA;
	s2 =	sadd.s32 s3, s2  }
0x8d: {  	s2 =	sadd.s32 s2, s14  }
0x8e: {  	[smem:$0x3FC6] =	sst s2  }
0x8f: {  	_ = 	snop  }
0x90: {  	s2 =	sld [smem:$0x3FD0];
	_ =	sdelay $0x2  }
0x91: {  	s4 =	simm.s32 $0xA;
	s5 =	simm.s32 $0x10;
	s15 =	sld [smem:$0x3FC8]  }
0x92: {  	[smem:s5], [sflag:s4] =	dma.local [hbm:s2], $0x1  }
0x93: {  	_ =	swait.eq [sflag:s4], $0x1  }
0x94: {  	[sflag:s4] =	ssyncset.done $0x0  }
0x95: {  	[sflag:s4] =	ssyncadd.s32 $0xFFFFFFFF  }
0x96: {  	s16 =	sld [smem:$0x11];
	(tm) =	ssettm $0x1  }
0x97: {  	s17 =	sld [smem:$0x3FFB];
	_ =	sdelay $0x3  }
0x98: {  	_ =	strace s17  }
0x99: {  	s4 =	sld [smem:$0x3FFC];
	_ =	sdelay $0x3  }
0x9a: {  	_ =	strace s4  }
0x9b: {  	s4 =	sld [smem:$0x3FFD];
	_ =	sdelay $0x3  }
0x9c: {  	_ =	strace s4  }
0x9d: {  	_ =	strace $0x8FFFFFFF  }
0x9e: {  	s18 =	sld [smem:$0x3FDB];
	_ =	sdelay $0x1  }
0x9f: {  	s19 =	simm.s32 $_scs_section_size  }
0xa0: {  	s6 =	simm.s32 $_size__tile_overlayer_lowered;
	s7 =	simm.s32 $_tile_overlayer_lowered  }
0xa1: {  	s22 =	simm.s32 $0x1BFF;
	s21 =	sshll.u32 s7, $0x1;
	s4 =	sadd.s32 s19, s18  }
0xa2: {  	s8 =	simm.s32 $0x0;
	s20 =	sshll.u32 s6, $0x1;
	s6 =	sadd.s32 s21, s4  }
0xa3: {  	[timem:s8], [sflag:s22] =	dma.local [hbm:s6], s20  }
0xa4: {  	_ =	swait.ge [sflag:s22], s20  }
0xa5: {  	s5 =	ssub.s32 $0x0, s20;
	[sflag:s22] =	ssyncset.done $0x0  }
0xa6: {  	[sflag:s22] =	ssyncadd.s32 s5;
	_ =	sdelay $0x1  }
0xa7: {  	s23 =	simm.s32 $0x1B8B  }
0xa8: {  	_ =	swait.ge [sflag:s23], $0x1  }
0xa9: {  	[sflag:s23] =	ssyncset.done $0x0  }
0xaa: {  	s25 =	simm.s32 $0x1B8E;
	s24 =	sld [smem:$0x3FFE];
	[sflag:s23] =	ssyncadd.s32 $0xFFFFFFFF  }
0xab: {  	s26 =	simm.s32 $execute0_lowered;
	[smem:$0x3FD2] =	sst s25  }
0xac: {  	s6 =	sshll.u32 s26, $0x1;
	_ =	strace $0x80000049;
	[dreg:$0x1] =	wrdreg $0xFFFFFFFF  }
0xad: {  	s28 =	simm.s32 $_size_execute0_lowered;
	s4 =	sadd.s32 s4, s6;
	[dreg:$0x0] =	wrdreg $0x0  }
0xae: {  	s6 =	sshll.u32 s28, $0x1;
	[dreg:$0x2] =	wrdreg s4  }
0xaf: {  	[dreg:$0x3] =	wrdreg s6  }
0xb0: {  	[dreg:$0x4] =	wrdreg $0xC0  }
0xb1: {  	_ =	task [dreg:s8], $0x5FFFF  }
0xb2: {  	[dreg:$0x1] =	wrdreg $0xFFFFFFFF  }
0xb3: {  	[dreg:$0x0] =	wrdreg $0x60  }
0xb4: {  	[dreg:$0x2] =	wrdreg s15  }
0xb5: {  	[dreg:$0x3] =	wrdreg s16  }
0xb6: {  	[dreg:$0x4] =	wrdreg s24  }
0xb7: {  	[dreg:$0x5] =	wrdreg $0x9  }
0xb8: {  	_ =	task.clear_ibuf [dreg:s8], $0x6FFFF;
	_ =	strace $0x90000049  }
0xb9: {  	s29 =	simm.s32 $0x9;
	_ =	strace $0x8000004B  }
0xba: {  	_ =	swait.ge [sflag:s29], $0x1  }
0xbb: {  	[sflag:s29] =	ssyncadd.s32 $0xFFFFFFFF  }
0xbc: {  	_ =	strace $0x9000004B  }
0xbd: {  	_ =	sfence  }
0xbe: {  	s30 =	sld [smem:$0x0];
	_ =	sdelay $0x2  }
0xbf: {  	s31 =	sshll.u32 s1, $0xD;
	s1 =	sshrl.u32 s1, $0x2  }
0xc0: {  	s3 =	sand.u32 $0x4000, s31;
	s1 =	sadd.s32 s1, s30  }
0xc1: {  	s0 =	sor.u32 s3, s0;
	s1 =	sshll.u32 s1, $0x11  }
0xc2: {  	s0 =	sor.u32 s1, s0  }
0xc3: {  	s0 =	sadd.s32 $0x8F2B, s0  }
0xc4: {  	[sflag:s0] =	ssyncadd.remote.s32 $0x1  }
0xc5: {  	_ =	sfence.sel $0xFFFF  }
0xc6: {  	[dreg:$0x0] =	wrdreg $0xFFFFFFFF;
	(pc) =	sbr.abs _section_cstart, $3  }
0xc7: {  	[dreg:$0x1] =	wrdreg $0xFFFFFFFF  }
0xc8: {  	_ =	task.clear_ibuf [dreg:s8], $0x2FFFF;
	_ =	strace $0x9FFFFFFF  }
0xc9: {  	(tm) =	ssettm $0x7FFFFFFF  }
tec
execute0_lowered:
.L_overlay_start_1:
0x0: {  	(tag) =	ssettag $0x1  }
0x1: {  	s2 =	rddreg [dreg:$0x0]  }
0x2: {  	s6 =	rddreg [dreg:$0x1]  }
0x3: {  	s4 =	rddreg [dreg:$0x2]  }
0x4: {  	s0 =	rddreg [dreg:$0x3];
	s1 =	stileid.u32  }
0x5: {  	s7 =	srdreg.scid;
	s5 =	smul.u32 $0x21000, s1  }
0x6: {  	s3 =	simm.s32 $0x0;
	s7 =	sand.u32 $0x1, s7;
	s8 =	smul.u32 $0x2100, s1  }
0x7: {  	[smem:$0x7FF] =	sst s3;
	s9 =	ssub.s32 $0x2, s7;
	s10 =	smul.u32 $0x1080, s7  }
0x8: {  	s7 =	smul.u32 $0x10800, s7;
	_ =	strace $0x8000004A;
	s30 =	sshrl.u32 s9, $0x1  }
0x9: {  	s5 =	sadd.s32 s5, s4;
	s4 =	ssub.s32 s9, s30;
	s8 =	sadd.s32 s10, s8  }
0xa: {  	s5 =	sadd.s32 s7, s5;
	s7 =	simm.s32 $0x2;
	s9 =	simm.s32 $0x1  }
0xb: {  	s10 =	simm.s32 $0x0;
	s4 =	smax.u32 s4, $0x1;
	s31 =	sshrl.u32 s8, $0x3  }
0xc: {  	s5 =	sadd.s32 $0x280000, s5;
	s8 =	simm.s32 $0x80;
	s6 =	sadd.s32 s31, s6  }
.LBB2_1:
0xd: {  	s11 =	sadd.s32 $0x0, s6  }
0xe: {  	[tilespmem:s3], [sflag:$0x2] =	stream.linear.gather [hbm4b:s11+s3], $0x80, $0x38;
	[tilespmem:$0x4080] =	vst v63  }
0xf: {  	_ =	swait.ge [sflag:s7], $0x80  }
0x10: {  	[sflag:s7] =	ssyncset.done $0x0  }
0x11: {  	[sflag:s7] =	ssyncadd.s32 $0xFFFFFF80  }
0x12: {  	[tilespmem:s8], [sflag:$0x1] =	stream.indirect.gather [hbm4b:s2+s8], $0x80, s3, s8, $0xb8;
	[tilespmem:$0x4080] =	vst v63  }
0x13: {  	_ =	swait.ge [sflag:s9], $0x4000  }
0x14: {  	[sflag:s9] =	ssyncset.done $0x0  }
0x15: {  	[sflag:s9] =	ssyncadd.s32 $0xFFFFC000  }
0x16: {  	[hbm4b:s5+s3] =	stream.linear.scatter [tilespmem:s8], [sflag:$0x2], $0x4000, $0x38;
	[tilespmem:$0x4080] =	vst v63  }
0x17: {  	s12 =	simm.s32 $0x10;
	_ =	swait.ge [sflag:s7], $0x4000  }
0x18: {  	s13 =	simm.s32 $0x20;
	s11 =	sadd.s32 $0x800, s5;
	[sflag:s7] =	ssyncset.done $0x0  }
.LBB2_2:
0x19: {  	s14 =	sadd.s32 s12, s6  }
0x1a: {  	[sflag:s7] =	ssyncadd.s32 $0xFFFFC000;
	s12 =	smov.u32 s13;
	s15 =	sadd.s32 $0x10, s13  }
0x1b: {  	[tilespmem:s3], [sflag:$0x2] =	stream.linear.gather [hbm4b:s14+s3], $0x80, $0x38;
	[tilespmem:$0x4080] =	vst v63  }
0x1c: {  	p0 =	sne.s32 s13, $0x200;
	_ =	swait.ge [sflag:s7], $0x80  }
0x1d: {  	[sflag:s7] =	ssyncset.done $0x0  }
0x1e: {  	[sflag:s7] =	ssyncadd.s32 $0xFFFFFF80  }
0x1f: {  	[tilespmem:s8], [sflag:$0x1] =	stream.indirect.gather [hbm4b:s2+s8], $0x80, s3, s8, $0xb8;
	[tilespmem:$0x4080] =	vst v63  }
0x20: {  	_ =	swait.ge [sflag:s9], $0x4000  }
.Ltmp0:
0x21: {  	[sflag:s9] =	ssyncset.done $0x0;
	(pc) =	sbr.rel @p0 .LBB2_2-.Ltmp0, $4  }
0x22: {  	[sflag:s9] =	ssyncadd.s32 $0xFFFFC000  }
0x23: {  	[hbm4b:s11+s3] =	stream.linear.scatter [tilespmem:s8], [sflag:$0x2], $0x4000, $0x38;
	[tilespmem:$0x4080] =	vst v63  }
0x24: {  	_ =	swait.ge [sflag:s7], $0x4000  }
0x25: {  	s13 =	smov.u32 s15;
	s11 =	sadd.s32 $0x800, s11;
	[sflag:s7] =	ssyncset.done $0x0  }
0x26: {  	s12 =	sadd.s32 s12, s6;
	[sflag:s7] =	ssyncadd.s32 $0xFFFFC000  }
0x27: {  	[tilespmem:s3], [sflag:$0x2] =	stream.linear.gather [hbm4b:s12+s3], $0x80, $0x38;
	[tilespmem:$0x4080] =	vst v63  }
0x28: {  	_ =	swait.ge [sflag:s7], $0x80  }
0x29: {  	[sflag:s7] =	ssyncset.done $0x0  }
0x2a: {  	[sflag:s7] =	ssyncadd.s32 $0xFFFFFF80  }
0x2b: {  	[tilespmem:s8], [sflag:$0x1] =	stream.indirect.gather [hbm4b:s2+s8], $0x80, s3, s8, $0xb8;
	[tilespmem:$0x4080] =	vst v63  }
0x2c: {  	s10 =	sadd.s32 $0x1, s10;
	_ =	swait.ge [sflag:s9], $0x4000  }
0x2d: {  	p0 =	sne.s32 s10, s4;
	[sflag:s9] =	ssyncset.done $0x0  }
.Ltmp1:
0x2e: {  	[sflag:s9] =	ssyncadd.s32 $0xFFFFC000;
	(pc) =	sbr.rel @p0 .LBB2_1-.Ltmp1, $4  }
0x2f: {  	[hbm4b:s11+s3] =	stream.linear.scatter [tilespmem:s8], [sflag:$0x2], $0x4000, $0x38;
	[tilespmem:$0x4080] =	vst v63  }
0x30: {  	_ =	swait.ge [sflag:s7], $0x4000  }
0x31: {  	[sflag:s7] =	ssyncset.done $0x0  }
0x32: {  	[sflag:s7] =	ssyncadd.s32 $0xFFFFC000  }
0x33: {  	_ =	sfence.sel $0x180000  }
0x34: {  	[bflag:$0x0] =	sbarrier.arrive $0xFFFF  }
0x35: {  	p0 =	sne.s32 s1, $0x0;
	_ =	strace $0x9000004A  }
0x36: {  	s0 =	sadd.s32 @!p0 $0x100000, s0;
	[bflag:$0x2] =	sbarrier.arrive $0xFFFF  }
0x37: {  	[sflag:s0] =	ssyncadd.tile.s32 @!p0 $0x1;
	_ =	shalt  }
.Lfunc_end2:
_tile_overlayer_lowered:
.L_overlay_start_2:
0x38: {  	(tag) =	ssettag $0x2  }
0x39: {  	s0 =	rddreg [dreg:$0x0];
	s2 =	stileid.u32  }
0x3a: {  	s1 =	rddreg [dreg:$0x1];
	p0 =	sne.s32 s2, $0x0  }
0x3b: {  	s3 =	rddreg [dreg:$0x2];
	[bflag:$0x3] =	sbarrier.arrive $0xFFFF;
	s2 =	simm.s32 @!p0 $0x1C02  }
0x3c: {  	[timem:s3], [sflag:s2] =	dma.local @!p0 [hbm:s0], s1  }
0x3d: {  	s0 =	simm.s32 @!p0 $0x2  }
0x3e: {  	_ =	swait.ge @!p0 [sflag:s0], s1  }
0x3f: {  	s1 =	ssub.s32 @!p0 $0x0, s1;
	[sflag:s0] =	ssyncset.done @!p0 $0x0  }
0x40: {  	[sflag:s0] =	ssyncadd.s32 @!p0 s1  }
0x41: {  	[bflag:$0x3] =	sbarrier.arrive $0xFFFF  }
0x42: {  	_ =	shalt  }

// kernel: sparse-core-data-format-call.cloned.1.call-start
scs
called_computation_lowered:
.L_overlay_start_0:
0x0: {  	s2 =	sld [smem:$0x3FD9]  }
0x1: {  	s3 =	sld [smem:$0x3FFE];
	_ =	sdelay $0x1  }
0x2: {  	s1 =	srdreg.scid  }
0x3: {  	s0 =	sand.u32 $0x1, s1  }
0x4: {  	s15 =	sshll.u32 s0, $0xA;
	s2 =	sadd.s32 s3, s2  }
0x5: {  	s2 =	sadd.s32 s2, s15  }
0x6: {  	[smem:$0x3FC6] =	sst s2  }
0x7: {  	_ = 	snop  }
0x8: {  	s2 =	sld [smem:$0x3FD0];
	_ =	sdelay $0x2  }
0x9: {  	s16 =	simm.s32 $0xA;
	s4 =	simm.s32 $0x10  }
0xa: {  	[smem:s4], [sflag:s16] =	dma.local [hbm:s2], $0x1  }
0xb: {  	_ =	swait.eq [sflag:s16], $0x1  }
0xc: {  	[sflag:s16] =	ssyncset.done $0x0  }
0xd: {  	[sflag:s16] =	ssyncadd.s32 $0xFFFFFFFF  }
0xe: {  	s17 =	sld [smem:$0x13];
	(tm) =	ssettm $0x1  }
0xf: {  	s18 =	sld [smem:$0x3FFB];
	_ =	sdelay $0x3  }
0x10: {  	_ =	strace s18  }
0x11: {  	s3 =	sld [smem:$0x3FFC];
	_ =	sdelay $0x3  }
0x12: {  	_ =	strace s3  }
0x13: {  	s3 =	sld [smem:$0x3FFD];
	_ =	sdelay $0x3  }
0x14: {  	_ =	strace s3  }
0x15: {  	_ =	strace $0x8FFFFFFF  }
0x16: {  	s19 =	sld [smem:$0x3FDB];
	_ =	sdelay $0x1  }
0x17: {  	s20 =	simm.s32 $_scs_section_size  }
0x18: {  	s5 =	simm.s32 $_size__tile_overlayer_lowered;
	s6 =	simm.s32 $_tile_overlayer_lowered  }
0x19: {  	s23 =	simm.s32 $0x1BFF;
	s22 =	sshll.u32 s6, $0x1;
	s3 =	sadd.s32 s20, s19  }
0x1a: {  	s7 =	simm.s32 $0x0;
	s21 =	sshll.u32 s5, $0x1;
	s5 =	sadd.s32 s22, s3  }
0x1b: {  	[timem:s7], [sflag:s23] =	dma.local [hbm:s5], s21  }
0x1c: {  	_ =	swait.ge [sflag:s23], s21  }
0x1d: {  	s4 =	ssub.s32 $0x0, s21;
	[sflag:s23] =	ssyncset.done $0x0  }
0x1e: {  	[sflag:s23] =	ssyncadd.s32 s4;
	_ =	sdelay $0x1  }
0x1f: {  	s24 =	simm.s32 $0x1B8B  }
0x20: {  	_ =	swait.ge [sflag:s24], $0x1  }
0x21: {  	[sflag:s24] =	ssyncset.done $0x0  }
0x22: {  	s26 =	simm.s32 $0x1B8E;
	s25 =	sld [smem:$0x3FFE];
	[sflag:s24] =	ssyncadd.s32 $0xFFFFFFFF  }
0x23: {  	s27 =	simm.s32 $execute0_lowered;
	[smem:$0x3FD2] =	sst s26  }
0x24: {  	s5 =	sshll.u32 s27, $0x1;
	_ =	strace $0x80000046;
	[dreg:$0x1] =	wrdreg $0xFFFFFFFF  }
0x25: {  	s28 =	simm.s32 $_size_execute0_lowered;
	s3 =	sadd.s32 s3, s5;
	[dreg:$0x0] =	wrdreg $0x0  }
0x26: {  	s5 =	sshll.u32 s28, $0x1;
	[dreg:$0x2] =	wrdreg s3  }
0x27: {  	[dreg:$0x3] =	wrdreg s5  }
0x28: {  	[dreg:$0x4] =	wrdreg $0xC0  }
0x29: {  	_ =	task [dreg:s7], $0x5FFFF  }
0x2a: {  	[dreg:$0x1] =	wrdreg $0xFFFFFFFF  }
0x2b: {  	[dreg:$0x0] =	wrdreg $0x60  }
0x2c: {  	[dreg:$0x2] =	wrdreg s17  }
0x2d: {  	[dreg:$0x3] =	wrdreg s25  }
0x2e: {  	[dreg:$0x4] =	wrdreg $0x9  }
0x2f: {  	_ =	task.clear_ibuf [dreg:s7], $0x5FFFF;
	_ =	strace $0x90000046  }
0x30: {  	s29 =	simm.s32 $0x9;
	_ =	strace $0x80000048  }
0x31: {  	_ =	swait.ge [sflag:s29], $0x1  }
0x32: {  	[sflag:s29] =	ssyncadd.s32 $0xFFFFFFFF  }
0x33: {  	_ =	strace $0x90000048  }
0x34: {  	_ =	sfence  }
0x35: {  	s30 =	sld [smem:$0x0];
	_ =	sdelay $0x2  }
0x36: {  	s31 =	sshll.u32 s1, $0xD;
	s1 =	sshrl.u32 s1, $0x2  }
0x37: {  	s3 =	sand.u32 $0x4000, s31;
	s1 =	sadd.s32 s1, s30  }
0x38: {  	s0 =	sor.u32 s3, s0;
	s1 =	sshll.u32 s1, $0x11  }
0x39: {  	s0 =	sor.u32 s1, s0  }
0x3a: {  	s0 =	sadd.s32 $0x8F2B, s0  }
0x3b: {  	[sflag:s0] =	ssyncadd.remote.s32 $0x1  }
0x3c: {  	_ =	sfence.sel $0xFFFF  }
0x3d: {  	[dreg:$0x0] =	wrdreg $0xFFFFFFFF;
	(pc) =	sbr.abs _section_cstart, $3  }
0x3e: {  	[dreg:$0x1] =	wrdreg $0xFFFFFFFF  }
0x3f: {  	_ =	task.clear_ibuf [dreg:s7], $0x2FFFF;
	_ =	strace $0x9FFFFFFF  }
0x40: {  	(tm) =	ssettm $0x7FFFFFFF  }
0x41: {  	_ =	shalt  }
tec
execute0_lowered:
.L_overlay_start_1:
0x0: {  	(tag) =	ssettag $0x1  }
0x1: {  	s0 =	stileid.u32;
	s1 =	srdreg.scid  }
0x2: {  	s4 =	rddreg [dreg:$0x1];
	s7 =	simm.s32 $0x1;
	s31 =	simm.s32 $0x2  }
0x3: {  	s16 =	simm.s32 $0x0;
	s2 =	sshll.u32 s0, $0x4;
	s1 =	sshll.u32 s1, $0x8  }
0x4: {  	s9 =	simm.s32 $0x1000;
	s14 =	simm.s32 $0x0;
	s1 =	sor.u32 s2, s1  }
0x5: {  	s15 =	simm.s32 $0x0;
	s10 =	simm.s32 $0x0;
	s3 =	sand.u32 $0x180, s1  }
0x6: {  	s13 =	simm.s32 $0x0;
	s2 =	rddreg [dreg:$0x0];
	s5 =	ssub.s32 $0x200, s3  }
0x7: {  	s4 =	sadd.s32 $0x80000, s4;
	s1 =	rddreg [dreg:$0x2];
	s6 =	sand.u32 $0x180, s5  }
.Ltmp0:
0x8: {  	_ =	strace $0x80000047;
	p0 =	sne.s32 s6, $0x0;
	(pc) =	sbr.rel .LBB1_1-.Ltmp0, $4  }
0x9: {  	s11 =	smov.u32 s3;
	s8 =	sshrl.u32 s5, $0x9;
	s7 =	simm.s32 @!p0 $0x0  }
0xa: {  	s5 =	sand.u32 $0x7, s0;
	s6 =	simm.s32 $0x1;
	s7 =	sadd.s32 s7, s8  }
0xb: {  	s12 =	smov.u32 s5;
	[sflag:s6] =	ssyncpa.u1 $0x0;
	s7 =	sshll.u32 s7, $0x5  }
0xc: {  	p0 =	por $0x0, $0x0;
	[sflag:s31] =	ssyncpa.u1 $0x0;
	s8 =	sor.u32 $0x1, s7  }
.LBB1_4:
0xd: {  	v5 =	vld [tilespmem:s19+$0xFFFFFFD0]  }
0xe: {  	[tilespmem:s20+$0x2040 ss:$0x81] =	vst.msk $0xffff, v1;
	v58 =	vld [tilespmem:s19+$0xFFFFFFE0]  }
0xf: {  	[tilespmem:s20+$0x2850 ss:$0x81] =	vst.msk $0xffff, v2;
	v59 =	vld [tilespmem:s19+$0xFFFFFFF0]  }
0x10: {  	s21 =	sshra.s32 s21, $0x2;
	[tilespmem:s20+$0x3060 ss:$0x81] =	vst.msk $0xffff, v3;
	v60 =	vld [tilespmem:s19+$0x0]  }
0x11: {  	[tilespmem:s20+$0x0 ss:$0x81] =	vst.msk $0xffff, v0;
	v61 =	vld [tilespmem:s19+$0x10];
	s18 =	sadd.s32 s21, s18  }
0x12: {  	s25 =	sshll.u32 s16, $0x9;
	v62 =	vld [tilespmem:s19+$0x20];
	[tilespmem:s18+$0x3870 ss:$0x81] =	vst.msk $0xffff, v4  }
0x13: {  	s26 =	sshll.u32 s14, $0x3;
	s27 =	sshll.u32 s16, $0x7;
	v63 =	vld [tilespmem:s19+$0xFFFFFFC0];
	s30 =	sand.u32 $0x78, s14;
	[tilespmem:s18+$0x810 ss:$0x81] =	vst.msk $0xffff, v5  }
0x14: {  	s15 =	sshll.u32 s15, $0x12;
	s20 =	sand.u32 $0x1FF000, s25;
	s21 =	sand.u32 $0x1FFC00, s26;
	[tilespmem:s18+$0x1020 ss:$0x81] =	vst.msk $0xffff, v58  }
0x15: {  	s29 =	sand.u32 $0x200, s27;
	s16 =	sand.u32 $0x180, s27;
	s28 =	sadd.s32 s21, s20;
	[tilespmem:s18+$0x1830 ss:$0x81] =	vst.msk $0xffff, v59  }
0x16: {  	s31 =	sand.u32 $0x7, s14;
	s16 =	sor.u32 s30, s16;
	s19 =	sor.u32 s29, s28;
	[tilespmem:s18+$0x2040 ss:$0x81] =	vst.msk $0xffff, v60  }
0x17: {  	s15 =	sadd.s32 s4, s15;
	s16 =	sshrl.u32 s16, $0x3;
	s19 =	sshrl.u32 s19, $0x3;
	[tilespmem:s18+$0x2850 ss:$0x81] =	vst.msk $0xffff, v61  }
0x18: {  	s14 =	sshll.u32 s31, $0x12;
	s15 =	sadd.s32 s16, s15;
	[tilespmem:s18+$0x3060 ss:$0x81] =	vst.msk $0xffff, v62;
	s19 =	sand.u32 $0x3FFC0, s19  }
0x19: {  	s14 =	sor.u32 $0x400, s14;
	[tilespmem:s18+$0x0 ss:$0x81] =	vst.msk $0xffff, v63;
	s15 =	sadd.s32 s19, s15  }
0x1a: {  	[hbm4b:s15+s14] =	stream.strided.scatter [tilespmem:s17], [sflag:$0x2], $0x4000, s9, s14, $0x20;
	[tilespmem:$0x10100] =	vst v63  }
.LBB1_5:
0x1b: {  	s17 =	sadd.s32 $0x80, s10  }
0x1c: {  	s14 =	sadd.s32 $0x200, s11;
	s18 =	smov.u32 s11;
	p2 =	sgt.s32 s17, $0xFFF  }
0x1d: {  	s18 =	smov.u32 @p2 s14  }
0x1e: {  	s20 =	smov.u32 s12;
	s14 =	sadd.s32 $0x8, s12;
	p3 =	sgt.s32 s18, $0x1FF  }
0x1f: {  	s20 =	smov.u32 @p3 s14  }
0x20: {  	s17 =	simm.s32 @p2 $0x0;
	p2 =	sgt.s32 s20, $0x7  }
0x21: {  	p1 =	slt.u32 s13, $0x2;
	s20 =	smov.u32 @p2 s5;
	p2 =	sne.s32 s13, s8  }
.Ltmp1:
0x22: {  	s19 =	simm.s32 @!p1 $0x2;
	(pc) =	sbr.rel @!p2 .LBB1_6-.Ltmp1, $4  }
0x23: {  	s16 =	smov.u32 s10;
	s15 =	smov.u32 s12;
	_ =	swait.ge @!p1 [sflag:s19], $0x4000  }
0x24: {  	p0 =	por !p0, !p0;
	[sflag:s19] =	ssyncset.done @!p1 $0x0;
	s10 =	smov.u32 s17  }
0x25: {  	s18 =	smov.u32 @p3 s3;
	s14 =	smov.u32 s11;
	[sflag:s19] =	ssyncadd.s32 @!p1 $0xFFFFC000  }
0x26: {  	s11 =	smov.u32 s18;
	s13 =	sadd.s32 $0x1, s13;
	s12 =	smov.u32 s20  }
.LBB1_1:
0x27: {  	p1 =	sge.u32 s13, s7;
	s31 =	sadd.s32 $0xFFFFFFFF, s13  }
0x28: {  	s17 =	sxor.u32 @!p1 $0xFFFFFFFF, s13;
	s18 =	sand.u32 @!p1 $0x78, s10;
	s19 =	sshll.u32 @!p1 s11, $0xC  }
0x29: {  	s20 =	sshll.u32 @!p1 s11, $0x7;
	s21 =	sshll.u32 @!p1 s10, $0x3;
	s17 =	sshll.u32 @!p1 s17, $0xE  }
0x2a: {  	s19 =	sand.u32 @!p1 $0x1F8000, s19;
	s20 =	sand.u32 @!p1 $0x380, s20;
	s17 =	sand.u32 @!p1 $0x4000, s17  }
0x2b: {  	s19 =	sadd.s32 @!p1 s19, s21;
	s21 =	sand.u32 @!p1 $0xC00, s21;
	s18 =	sor.u32 @!p1 s20, s18  }
0x2c: {  	s20 =	sshll.u32 @!p1 s12, $0x12;
	s18 =	sor.u32 @!p1 s21, s18;
	s19 =	sshrl.u32 @!p1 s19, $0x3  }
0x2d: {  	s20 =	sadd.s32 @!p1 s2, s20;
	s21 =	sand.u32 @!p1 $0x7, s10;
	s19 =	sand.u32 @!p1 $0x3FE00, s19  }
0x2e: {  	s18 =	sshrl.u32 @!p1 s18, $0x3;
	s19 =	sadd.s32 @!p1 s19, s20;
	s20 =	sshll.u32 @!p1 s21, $0x12  }
0x2f: {  	s18 =	sadd.s32 @!p1 s18, s19;
	s19 =	sor.u32 @!p1 $0x400, s20;
	s20 =	simm.s32 @!p1 $0x8000  }
0x30: {  	[tilespmem:s17], [sflag:$0x1] =	stream.strided.gather @!p1 [hbm4b:s18+s19], $0x4000, s20, s19, $0x38;
	[tilespmem:$0x10100] =	vst v63  }
0x31: {  	p1 =	sge.u32 s31, s7  }
.Ltmp2:
0x32: {  	_ = 	snop;
	(pc) =	sbr.rel @p1 .LBB1_5-.Ltmp2, $1  }
0x33: {  	_ =	sdelay $0x3  }
0x34: {  	s17 =	simm.s32 $0x1  }
0x35: {  	_ =	swait.ge [sflag:s6], $0x4000;
	s17 =	simm.s32 @!p0 $0x0  }
0x36: {  	[sflag:s6] =	ssyncset.done $0x0;
	s18 =	sshll.u32 s17, $0xE  }
0x37: {  	[sflag:s6] =	ssyncadd.s32 $0xFFFFC000;
	s19 =	sor.u32 $0x40, s18  }
0x38: {  	s17 =	smul.u32 $0x10200, s17;
	v0 =	vld [tilespmem:s19+$0x30]  }
0x39: {  	v3 =	vld [tilespmem:s19+$0xFFFFFFD0]  }
0x3a: {  	s17 =	sshrl.u32 s17, $0x2;
	v4 =	vld [tilespmem:s19+$0xFFFFFFE0]  }
0x3b: {  	v5 =	vld [tilespmem:s19+$0xFFFFFFF0];
	s18 =	sor.u32 $0x8000, s17  }
0x3c: {  	s31 =	sand.u32 $0x1, s13;
	v1 =	vld [tilespmem:s19+$0x0];
	s20 =	sadd.s32 $0x0, s18  }
0x3d: {  	v2 =	vld [tilespmem:s19+$0x10];
	s17 =	smul.u32 $0x10200, s31;
	[tilespmem:s20+$0x3870 ss:$0x81] =	vst.msk $0xffff, v0  }
0x3e: {  	[tilespmem:s20+$0x810 ss:$0x81] =	vst.msk $0xffff, v3;
	v3 =	vld [tilespmem:s19+$0x20]  }
0x3f: {  	s17 =	sshrl.u32 s17, $0x2;
	v0 =	vld [tilespmem:s19+$0xFFFFFFC0];
	[tilespmem:s20+$0x1020 ss:$0x81] =	vst.msk $0xffff, v4;
	s19 =	sadd.s32 $0x80, s19  }
0x40: {  	s21 =	simm.s32 $0x4;
	s22 =	simm.s32 $0x8;
	s17 =	sor.u32 $0x8000, s17;
	[tilespmem:s20+$0x1830 ss:$0x81] =	vst.msk $0xffff, v5;
	v4 =	vld [tilespmem:s19+$0x30]  }
.LBB1_3:
0x41: {  	p1 =	sne.s32 s22, $0x1FC;
	v5 =	vld [tilespmem:s19+$0xFFFFFFD0];
	[tilespmem:s20+$0x2040 ss:$0x81] =	vst.msk $0xffff, v1  }
0x42: {  	v6 =	vld [tilespmem:s19+$0xFFFFFFE0];
	[tilespmem:s20+$0x2850 ss:$0x81] =	vst.msk $0xffff, v2  }
0x43: {  	s23 =	sshra.s32 s21, $0x2;
	s21 =	smov.u32 s22;
	v7 =	vld [tilespmem:s19+$0xFFFFFFF0];
	[tilespmem:s20+$0x3060 ss:$0x81] =	vst.msk $0xffff, v3  }
.Ltmp3:
0x44: {  	v1 =	vld [tilespmem:s19+$0x0];
	[tilespmem:s20+$0x0 ss:$0x81] =	vst.msk $0xffff, v0;
	s20 =	sadd.s32 s23, s18;
	(pc) =	sbr.rel @p1 .LBB1_3-.Ltmp3, $4  }
0x45: {  	v2 =	vld [tilespmem:s19+$0x10];
	[tilespmem:s20+$0x3870 ss:$0x81] =	vst.msk $0xffff, v4  }
0x46: {  	[tilespmem:s20+$0x810 ss:$0x81] =	vst.msk $0xffff, v5;
	v3 =	vld [tilespmem:s19+$0x20]  }
0x47: {  	v0 =	vld [tilespmem:s19+$0xFFFFFFC0];
	[tilespmem:s20+$0x1020 ss:$0x81] =	vst.msk $0xffff, v6;
	s19 =	sadd.s32 $0x80, s19  }
0x48: {  	s22 =	sadd.s32 $0x4, s22;
	v4 =	vld [tilespmem:s19+$0x30];
	[tilespmem:s20+$0x1830 ss:$0x81] =	vst.msk $0xffff, v7  }
.Ltmp4:
0x49: {  	_ = 	snop;
	(pc) =	sbr.rel .LBB1_4-.Ltmp4, $1  }
0x4a: {  	_ =	sdelay $0x3  }
.LBB1_6:
0x4b: {  	_ =	sfence.sel $0x180000  }
0x4c: {  	s2 =	simm.s32 $0x1;
	[bflag:$0x0] =	sbarrier.arrive $0xFFFF  }
0x4d: {  	s31 =	simm.s32 $0x2;
	[sflag:s2] =	ssyncpa.u1 $0x1  }
0x4e: {  	[sflag:s31] =	ssyncpa.u1 $0x1  }
0x4f: {  	p0 =	sne.s32 s0, $0x0;
	_ =	strace $0x90000047  }
0x50: {  	s0 =	sadd.s32 @!p0 $0x100000, s1;
	[bflag:$0x2] =	sbarrier.arrive $0xFFFF  }
0x51: {  	[sflag:s0] =	ssyncadd.tile.s32 @!p0 $0x1;
	_ =	shalt  }
.Lfunc_end1:
_tile_overlayer_lowered:
.L_overlay_start_2:
0x52: {  	(tag) =	ssettag $0x2  }
0x53: {  	s0 =	rddreg [dreg:$0x0];
	s2 =	stileid.u32  }
0x54: {  	s1 =	rddreg [dreg:$0x1];
	p0 =	sne.s32 s2, $0x0  }
0x55: {  	s3 =	rddreg [dreg:$0x2];
	[bflag:$0x3] =	sbarrier.arrive $0xFFFF;
	s2 =	simm.s32 @!p0 $0x1C01  }
0x56: {  	[timem:s3], [sflag:s2] =	dma.local @!p0 [hbm:s0], s1  }
0x57: {  	s0 =	simm.s32 @!p0 $0x1  }
0x58: {  	_ =	swait.ge @!p0 [sflag:s0], s1  }
0x59: {  	s1 =	ssub.s32 @!p0 $0x0, s1;
	[sflag:s0] =	ssyncset.done @!p0 $0x0  }
0x5a: {  	[sflag:s0] =	ssyncadd.s32 @!p0 s1  }
0x5b: {  	[bflag:$0x3] =	sbarrier.arrive $0xFFFF  }
0x5c: {  	_ =	shalt  }

</sc_bundles>
